<compile_context>
chip_gen: v7x
topology: tpu7x:2x2x1
jax: 0.10.2.dev20260603
libtpu: 0.0.44.dev20260713+nightly
codegen_flags: <defaults>
</compile_context>

<pallas_src>
import functools

import jax
import jax.numpy as jnp
from jax import lax
from jax.experimental import pallas as pl
from jax.experimental.pallas import tpu as pltpu
from jax.experimental.pallas import tpu_sc as plsc

_NC = 2
_NS = 16
_L = 16


def _scatter_body(n_rows, d, n_edges, w, ind2_hbm, inter_hbm, part_hbm,
                  acc, idx_buf, val_buf, si0, sv0, si1, sv1):
    g_cols = d // _L
    rows_half = n_rows // 2
    edges_half = n_edges // _NC
    n_windows = edges_half // w

    c = lax.axis_index("c")
    s = lax.axis_index("s")
    g = lax.rem(s, g_cols)
    rh = s // g_cols
    row0 = rh * rows_half
    col0 = g * _L
    half_u = jnp.uint32(rows_half)

    zeros16 = jnp.zeros((_L,), jnp.float32)

    def zero_row(j, carry):
        acc[j, :] = zeros16
        return carry

    lax.fori_loop(0, rows_half, zero_row, 0)

    iota = lax.iota(jnp.int32, _L)
    sis = (si0, si1)
    svs = (sv0, sv1)

    def idx_desc(wi, b):
        e0 = c * edges_half + wi * w
        return pltpu.make_async_copy(
            ind2_hbm.at[pl.ds(e0, w), 0, pl.ds(col0, _L)],
            idx_buf.at[b], sis[b])

    def val_desc(wi, b):
        e0 = c * edges_half + wi * w
        return pltpu.make_async_copy(
            inter_hbm.at[pl.ds(e0, w), pl.ds(col0, _L)],
            val_buf.at[b], svs[b])

    def start(wi, b):
        idx_desc(wi, b).start()
        val_desc(wi, b).start()

    start(0, 0)
    start(1, 1)

    def outer(o, carry):
        for b in range(2):
            wi = 2 * o + b
            idx_desc(wi, b).wait()
            val_desc(wi, b).wait()

            @plsc.parallel_loop(0, w, unroll=8)
            def edge(e):
                iv = idx_buf[b, e, :]
                vv = val_buf[b, e, :]
                r = iv - row0
                mask = plsc.bitcast(r, jnp.uint32) < half_u
                plsc.addupdate_scatter(acc, [r, iota], vv, mask=mask)

            @pl.when(wi + 2 < n_windows)
            def _():
                start(wi + 2, b)
        return carry

    lax.fori_loop(0, n_windows // 2, outer, 0)

    pltpu.sync_copy(acc,
                    part_hbm.at[c, pl.ds(row0, rows_half), pl.ds(col0, _L)])


def _add_body(p_ref, o_ref):
    o_ref[...] = p_ref[0] + p_ref[1]


@jax.jit
def kernel(ind_2, prop, inter):
    n_rows, d = prop.shape
    n_edges = inter.shape[0]
    w = 625

    mesh = plsc.VectorSubcoreMesh(core_axis_name="c", subcore_axis_name="s",
                                  num_cores=_NC, num_subcores=_NS)
    scatter = pl.kernel(
        functools.partial(_scatter_body, n_rows, d, n_edges, w),
        out_type=jax.ShapeDtypeStruct((_NC, n_rows, d), jnp.float32),
        mesh=mesh,
        scratch_types=[
            pltpu.VMEM((n_rows // 2, _L), jnp.float32),
            pltpu.VMEM((2, w, _L), jnp.int32),
            pltpu.VMEM((2, w, _L), jnp.float32),
            pltpu.SemaphoreType.DMA,
            pltpu.SemaphoreType.DMA,
            pltpu.SemaphoreType.DMA,
            pltpu.SemaphoreType.DMA,
        ],
        compiler_params=pltpu.CompilerParams(use_tc_tiling_on_sc=False,
                                             needs_layout_passes=False),
    )
    part = scatter(ind_2, inter)

    n_blocks = 10
    out = pl.pallas_call(
        _add_body,
        out_shape=jax.ShapeDtypeStruct((n_rows, d), jnp.float32),
        grid=(n_blocks,),
        in_specs=[pl.BlockSpec((_NC, n_rows // n_blocks, d),
                               lambda i: (0, i, 0))],
        out_specs=pl.BlockSpec((n_rows // n_blocks, d), lambda i: (i, 0)),
    )(part)
    return out

# --- scband reference (transcript-rebuilt; emitter-appended) ---
"""Pipeline reference for scband-iplayer-15032385536628 (READ-ONLY COPY).

The authoritative reference and input builder live on the scoring server;
editing this copy changes nothing except your own understanding.
"""

import jax, jax.numpy as jnp
import numpy as np


def setup_inputs(seed: int = 0) -> dict:
    key = jax.random.key(seed)
    k1, k2, k3 = jax.random.split(key, 3)
    N, E, d = 10000, 160000, 128
    ind_2 = jax.random.randint(k1, (E, 2, d), 0, N)
    prop = jax.random.normal(k2, (N, d), dtype=jnp.float32)
    inter = jax.random.normal(k3, (E, d), dtype=jnp.float32)
    return {"ind_2": ind_2, "prop": prop, "inter": inter}


def reference(ind_2, prop, inter):
    # torch.scatter_add(zeros(N, d), dim=0, index=ind_2[:, 0], src=inter)
    # semantics: out[index[i, j], j] += src[i, j]
    N = prop.shape[0]
    d = prop.shape[-1]
    idx = ind_2[:, 0]  # [E, d]
    cols = jnp.broadcast_to(jnp.arange(d), idx.shape)
    out = jnp.zeros((N, d), dtype=inter.dtype).at[idx, cols].add(inter)
    return out

if __name__ == "__main__":
    import jax
    _d = setup_inputs()
    print(jax.jit(kernel)(*tuple(_d.values())))

</pallas_src>

<mosaic_0001>
#map = affine_map<(d0, d1) -> (0, 0, 0)>
#map1 = affine_map<(d0, d1) -> (0, 0)>
module attributes {stable_mosaic.version = 14 : i64} {
  func.func @_scatter_body(%arg0: i32, %arg1: i32, %arg2: memref<160000x2x128xi32, #tpu.memory_space<hbm>>, %arg3: memref<160000x128xf32, #tpu.memory_space<hbm>>, %arg4: memref<2x10000x128xf32, #tpu.memory_space<hbm>>, %arg5: memref<5000x16xf32, #tpu.memory_space<vmem>>, %arg6: memref<2x625x16xi32, #tpu.memory_space<vmem>>, %arg7: memref<2x625x16xf32, #tpu.memory_space<vmem>>, %arg8: memref<!tpu.dma_semaphore, #tpu.memory_space<semaphore_mem>>, %arg9: memref<!tpu.dma_semaphore, #tpu.memory_space<semaphore_mem>>, %arg10: memref<!tpu.dma_semaphore, #tpu.memory_space<semaphore_mem>>, %arg11: memref<!tpu.dma_semaphore, #tpu.memory_space<semaphore_mem>>) attributes {dimension_semantics = [#tpu.dimension_semantics<core_parallel>, #tpu.dimension_semantics<subcore_parallel>], iteration_bounds = array<i64: 2, 16>, scalar_prefetch = 0 : i64, scratch_operands = 7 : i64, tpu.core_type = #tpu.core_type<sc_vector_subcore>, window_params = [{transform_indices = #map}, {transform_indices = #map1}, {transform_indices = #map}]} {
    %rem3A = arith.constant 8 : i32
    %rem3A_0 = arith.remsi %arg1, %rem3A : i32
    %jit3A = arith.constant 8 : i32
    %div3A = arith.divsi %arg1, %jit3A : i32
    %sign3A = arith.constant 0 : i32
    %sign3A_1 = arith.cmpi sgt, %arg1, %sign3A : i32
    %sign3A_2 = arith.extui %sign3A_1 : i1 to i32
    %sign3A_3 = arith.constant 0 : i32
    %sign3A_4 = arith.cmpi slt, %arg1, %sign3A_3 : i32
    %sign3A_5 = arith.extui %sign3A_4 : i1 to i32
    %sign3A_6 = arith.subi %sign3A_2, %sign3A_5 : i32
    %sign3A_7 = arith.constant 0 : i32
    %sign3A_8 = arith.cmpi sgt, %jit3A, %sign3A_7 : i32
    %sign3A_9 = arith.extui %sign3A_8 : i1 to i32
    %sign3A_10 = arith.constant 0 : i32
    %sign3A_11 = arith.cmpi slt, %jit3A, %sign3A_10 : i32
    %sign3A_12 = arith.extui %sign3A_11 : i1 to i32
    %sign3A_13 = arith.subi %sign3A_9, %sign3A_12 : i32
    %ne3A = arith.cmpi ne, %sign3A_6, %sign3A_13 : i32
    %rem3A_14 = arith.remsi %arg1, %jit3A : i32
    %ne3A_15 = arith.constant 0 : i32
    %ne3A_16 = arith.cmpi ne, %rem3A_14, %ne3A_15 : i32
    %and3A = arith.andi %ne3A, %ne3A_16 : i1
    %sub3A = arith.constant 1 : i32
    %sub3A_17 = arith.subi %div3A, %sub3A : i32
    %select_n3A = arith.select %and3A, %sub3A_17, %div3A : i32
    %mul3A = arith.constant 5000 : i32
    %mul3A_18 = arith.muli %select_n3A, %mul3A : i32
    %mul3A_19 = arith.constant 16 : i32
    %mul3A_20 = arith.muli %rem3A_0, %mul3A_19 : i32
    %broadcast_in_dim3A = arith.constant 0.000000e+00 : f32
    %broadcast_in_dim3A_21 = vector.broadcast %broadcast_in_dim3A : f32 to vector<16xf32>
    %scan3A = arith.constant 0 : i32
    %scan3A_22 = arith.constant 0 : i32
    %scan3A_23 = arith.constant 5000 : i32
    %scan3A_24 = arith.addi %scan3A_22, %scan3A_23 : i32
    %scan3A_25 = arith.constant 1 : i32
    scf.for %scan3A_98 = %scan3A_22 to %scan3A_24 step %scan3A_25  : i32 {
      %swap3A = arith.index_cast %scan3A_98 : i32 to index
      %swap3A_99 = arith.constant 0 : index
      %swap3A_100 = tpu.vector_load %arg5[%swap3A, %swap3A_99] {strides = array<i32>} : memref<5000x16xf32, #tpu.memory_space<vmem>>, vector<16xf32>,
      tpu.vector_store %arg5[%swap3A, %swap3A_99], %broadcast_in_dim3A_21 {strides = array<i32>} : memref<5000x16xf32, #tpu.memory_space<vmem>>, vector<16xf32>,
    }
    %scan3A_26 = arith.constant 5000 : i32
    %iota3A = tpu.iota {dimensions = array<i32: 0>} : vector<16xi32>
    %mul3A_27 = arith.constant 80000 : i32
    %mul3A_28 = arith.muli %arg0, %mul3A_27 : i32
    %add3A = arith.constant 0 : i32
    %add3A_29 = arith.addi %mul3A_28, %add3A : i32
    %dma_start3A = arith.constant 0 : i32
    %dma_start3A_30 = arith.constant 0 : i32
    %dma_start3A_31 = arith.constant 0 : i32
    %dma_start3A_32 = arith.constant 0 : i32
    %dma_start3A_33 = tpu.memref_slice %arg6[%dma_start3A_30, %dma_start3A_31, %dma_start3A_32] : memref<2x625x16xi32, #tpu.memory_space<vmem>> -> memref<1x625x16xi32, #tpu.memory_space<vmem>>
    %dma_start3A_34 = tpu.memref_squeeze %dma_start3A_33 : memref<1x625x16xi32, #tpu.memory_space<vmem>> -> memref<625x16xi32, #tpu.memory_space<vmem>>
    %dma_start3A_35 = tpu.memref_slice %arg2[%add3A_29, %dma_start3A, %mul3A_20] : memref<160000x2x128xi32, #tpu.memory_space<hbm>> -> memref<625x1x16xi32, #tpu.memory_space<hbm>>
    %dma_start3A_36 = tpu.memref_squeeze %dma_start3A_35 : memref<625x1x16xi32, #tpu.memory_space<hbm>> -> memref<625x16xi32, #tpu.memory_space<hbm>>
    %dma_start3A_37 = arith.constant 0 : i32
    %dma_start3A_38 = arith.constant 0 : i32
    %dma_start3A_39 = tpu.memref_slice %arg6[%dma_start3A_30, %dma_start3A_37, %dma_start3A_38] : memref<2x625x16xi32, #tpu.memory_space<vmem>> -> memref<1x625x16xi32, #tpu.memory_space<vmem>>
    %dma_start3A_40 = tpu.memref_squeeze %dma_start3A_39 : memref<1x625x16xi32, #tpu.memory_space<vmem>> -> memref<625x16xi32, #tpu.memory_space<vmem>>
    %dma_start3A_41 = tpu.memref_slice %arg2[%add3A_29, %dma_start3A, %mul3A_20] : memref<160000x2x128xi32, #tpu.memory_space<hbm>> -> memref<625x1x16xi32, #tpu.memory_space<hbm>>
    %dma_start3A_42 = tpu.memref_squeeze %dma_start3A_41 : memref<625x1x16xi32, #tpu.memory_space<hbm>> -> memref<625x16xi32, #tpu.memory_space<hbm>>
    tpu.enqueue_dma source(%dma_start3A_42 : memref<625x16xi32, #tpu.memory_space<hbm>>) target(%dma_start3A_40 : memref<625x16xi32, #tpu.memory_space<vmem>>) target_semaphore(%arg8 : memref<!tpu.dma_semaphore, #tpu.memory_space<semaphore_mem>>)
    %mul3A_43 = arith.constant 80000 : i32
    %mul3A_44 = arith.muli %arg0, %mul3A_43 : i32
    %add3A_45 = arith.constant 0 : i32
    %add3A_46 = arith.addi %mul3A_44, %add3A_45 : i32
    %dma_start3A_47 = arith.constant 0 : i32
    %dma_start3A_48 = arith.constant 0 : i32
    %dma_start3A_49 = arith.constant 0 : i32
    %dma_start3A_50 = tpu.memref_slice %arg7[%dma_start3A_47, %dma_start3A_48, %dma_start3A_49] : memref<2x625x16xf32, #tpu.memory_space<vmem>> -> memref<1x625x16xf32, #tpu.memory_space<vmem>>
    %dma_start3A_51 = tpu.memref_squeeze %dma_start3A_50 : memref<1x625x16xf32, #tpu.memory_space<vmem>> -> memref<625x16xf32, #tpu.memory_space<vmem>>
    %dma_start3A_52 = tpu.memref_slice %arg3[%add3A_46, %mul3A_20] : memref<160000x128xf32, #tpu.memory_space<hbm>> -> memref<625x16xf32, #tpu.memory_space<hbm>>
    %dma_start3A_53 = arith.constant 0 : i32
    %dma_start3A_54 = arith.constant 0 : i32
    %dma_start3A_55 = tpu.memref_slice %arg7[%dma_start3A_47, %dma_start3A_53, %dma_start3A_54] : memref<2x625x16xf32, #tpu.memory_space<vmem>> -> memref<1x625x16xf32, #tpu.memory_space<vmem>>
    %dma_start3A_56 = tpu.memref_squeeze %dma_start3A_55 : memref<1x625x16xf32, #tpu.memory_space<vmem>> -> memref<625x16xf32, #tpu.memory_space<vmem>>
    %dma_start3A_57 = tpu.memref_slice %arg3[%add3A_46, %mul3A_20] : memref<160000x128xf32, #tpu.memory_space<hbm>> -> memref<625x16xf32, #tpu.memory_space<hbm>>
    tpu.enqueue_dma source(%dma_start3A_57 : memref<625x16xf32, #tpu.memory_space<hbm>>) target(%dma_start3A_56 : memref<625x16xf32, #tpu.memory_space<vmem>>) target_semaphore(%arg9 : memref<!tpu.dma_semaphore, #tpu.memory_space<semaphore_mem>>)
    %mul3A_58 = arith.constant 80000 : i32
    %mul3A_59 = arith.muli %arg0, %mul3A_58 : i32
    %add3A_60 = arith.constant 625 : i32
    %add3A_61 = arith.addi %mul3A_59, %add3A_60 : i32
    %dma_start3A_62 = arith.constant 0 : i32
    %dma_start3A_63 = arith.constant 1 : i32
    %dma_start3A_64 = arith.constant 0 : i32
    %dma_start3A_65 = arith.constant 0 : i32
    %dma_start3A_66 = tpu.memref_slice %arg6[%dma_start3A_63, %dma_start3A_64, %dma_start3A_65] : memref<2x625x16xi32, #tpu.memory_space<vmem>> -> memref<1x625x16xi32, #tpu.memory_space<vmem>>
    %dma_start3A_67 = tpu.memref_squeeze %dma_start3A_66 : memref<1x625x16xi32, #tpu.memory_space<vmem>> -> memref<625x16xi32, #tpu.memory_space<vmem>>
    %dma_start3A_68 = tpu.memref_slice %arg2[%add3A_61, %dma_start3A_62, %mul3A_20] : memref<160000x2x128xi32, #tpu.memory_space<hbm>> -> memref<625x1x16xi32, #tpu.memory_space<hbm>>
    %dma_start3A_69 = tpu.memref_squeeze %dma_start3A_68 : memref<625x1x16xi32, #tpu.memory_space<hbm>> -> memref<625x16xi32, #tpu.memory_space<hbm>>
    %dma_start3A_70 = arith.constant 0 : i32
    %dma_start3A_71 = arith.constant 0 : i32
    %dma_start3A_72 = tpu.memref_slice %arg6[%dma_start3A_63, %dma_start3A_70, %dma_start3A_71] : memref<2x625x16xi32, #tpu.memory_space<vmem>> -> memref<1x625x16xi32, #tpu.memory_space<vmem>>
    %dma_start3A_73 = tpu.memref_squeeze %dma_start3A_72 : memref<1x625x16xi32, #tpu.memory_space<vmem>> -> memref<625x16xi32, #tpu.memory_space<vmem>>
    %dma_start3A_74 = tpu.memref_slice %arg2[%add3A_61, %dma_start3A_62, %mul3A_20] : memref<160000x2x128xi32, #tpu.memory_space<hbm>> -> memref<625x1x16xi32, #tpu.memory_space<hbm>>
    %dma_start3A_75 = tpu.memref_squeeze %dma_start3A_74 : memref<625x1x16xi32, #tpu.memory_space<hbm>> -> memref<625x16xi32, #tpu.memory_space<hbm>>
    tpu.enqueue_dma source(%dma_start3A_75 : memref<625x16xi32, #tpu.memory_space<hbm>>) target(%dma_start3A_73 : memref<625x16xi32, #tpu.memory_space<vmem>>) target_semaphore(%arg10 : memref<!tpu.dma_semaphore, #tpu.memory_space<semaphore_mem>>)
    %mul3A_76 = arith.constant 80000 : i32
    %mul3A_77 = arith.muli %arg0, %mul3A_76 : i32
    %add3A_78 = arith.constant 625 : i32
    %add3A_79 = arith.addi %mul3A_77, %add3A_78 : i32
    %dma_start3A_80 = arith.constant 1 : i32
    %dma_start3A_81 = arith.constant 0 : i32
    %dma_start3A_82 = arith.constant 0 : i32
    %dma_start3A_83 = tpu.memref_slice %arg7[%dma_start3A_80, %dma_start3A_81, %dma_start3A_82] : memref<2x625x16xf32, #tpu.memory_space<vmem>> -> memref<1x625x16xf32, #tpu.memory_space<vmem>>
    %dma_start3A_84 = tpu.memref_squeeze %dma_start3A_83 : memref<1x625x16xf32, #tpu.memory_space<vmem>> -> memref<625x16xf32, #tpu.memory_space<vmem>>
    %dma_start3A_85 = tpu.memref_slice %arg3[%add3A_79, %mul3A_20] : memref<160000x128xf32, #tpu.memory_space<hbm>> -> memref<625x16xf32, #tpu.memory_space<hbm>>
    %dma_start3A_86 = arith.constant 0 : i32
    %dma_start3A_87 = arith.constant 0 : i32
    %dma_start3A_88 = tpu.memref_slice %arg7[%dma_start3A_80, %dma_start3A_86, %dma_start3A_87] : memref<2x625x16xf32, #tpu.memory_space<vmem>> -> memref<1x625x16xf32, #tpu.memory_space<vmem>>
    %dma_start3A_89 = tpu.memref_squeeze %dma_start3A_88 : memref<1x625x16xf32, #tpu.memory_space<vmem>> -> memref<625x16xf32, #tpu.memory_space<vmem>>
    %dma_start3A_90 = tpu.memref_slice %arg3[%add3A_79, %mul3A_20] : memref<160000x128xf32, #tpu.memory_space<hbm>> -> memref<625x16xf32, #tpu.memory_space<hbm>>
    tpu.enqueue_dma source(%dma_start3A_90 : memref<625x16xf32, #tpu.memory_space<hbm>>) target(%dma_start3A_89 : memref<625x16xf32, #tpu.memory_space<vmem>>) target_semaphore(%arg11 : memref<!tpu.dma_semaphore, #tpu.memory_space<semaphore_mem>>)
    %scan3A_91 = arith.constant 0 : i32
    %scan3A_92 = arith.constant 5000 : i32
    %scan3A_93 = arith.constant 0 : i32
    %scan3A_94 = arith.constant 64 : i32
    %scan3A_95 = arith.addi %scan3A_93, %scan3A_94 : i32
    %scan3A_96 = arith.constant 1 : i32
    scf.for %scan3A_98 = %scan3A_93 to %scan3A_95 step %scan3A_96  : i32 {
      %mul3A_99 = arith.constant 2 : i32
      %mul3A_100 = arith.muli %mul3A_99, %scan3A_98 : i32
      %add3A_101 = arith.constant 0 : i32
      %add3A_102 = arith.addi %mul3A_100, %add3A_101 : i32
      %mul3A_103 = arith.constant 80000 : i32
      %mul3A_104 = arith.muli %arg0, %mul3A_103 : i32
      %mul3A_105 = arith.constant 625 : i32
      %mul3A_106 = arith.muli %add3A_102, %mul3A_105 : i32
      %add3A_107 = arith.addi %mul3A_104, %mul3A_106 : i32
      %dma_wait3A = arith.constant 0 : i32
      %dma_wait3A_108 = arith.constant 0 : i32
      %dma_wait3A_109 = arith.constant 0 : i32
      %dma_wait3A_110 = arith.constant 0 : i32
      %dma_wait3A_111 = tpu.memref_slice %arg6[%dma_wait3A_108, %dma_wait3A_109, %dma_wait3A_110] : memref<2x625x16xi32, #tpu.memory_space<vmem>> -> memref<1x625x16xi32, #tpu.memory_space<vmem>>
      %dma_wait3A_112 = tpu.memref_squeeze %dma_wait3A_111 : memref<1x625x16xi32, #tpu.memory_space<vmem>> -> memref<625x16xi32, #tpu.memory_space<vmem>>
      %dma_wait3A_113 = tpu.memref_slice %arg2[%add3A_107, %dma_wait3A, %mul3A_20] : memref<160000x2x128xi32, #tpu.memory_space<hbm>> -> memref<625x1x16xi32, #tpu.memory_space<hbm>>
      %dma_wait3A_114 = tpu.memref_squeeze %dma_wait3A_113 : memref<625x1x16xi32, #tpu.memory_space<hbm>> -> memref<625x16xi32, #tpu.memory_space<hbm>>
      %dma_wait3A_115 = arith.constant 0 : i32
      %dma_wait3A_116 = arith.constant 0 : i32
      %dma_wait3A_117 = tpu.memref_slice %arg6[%dma_wait3A_108, %dma_wait3A_115, %dma_wait3A_116] : memref<2x625x16xi32, #tpu.memory_space<vmem>> -> memref<1x625x16xi32, #tpu.memory_space<vmem>>
      %dma_wait3A_118 = tpu.memref_squeeze %dma_wait3A_117 : memref<1x625x16xi32, #tpu.memory_space<vmem>> -> memref<625x16xi32, #tpu.memory_space<vmem>>
      %dma_wait3A_119 = tpu.memref_slice %arg2[%add3A_107, %dma_wait3A, %mul3A_20] : memref<160000x2x128xi32, #tpu.memory_space<hbm>> -> memref<625x1x16xi32, #tpu.memory_space<hbm>>
      %dma_wait3A_120 = tpu.memref_squeeze %dma_wait3A_119 : memref<625x1x16xi32, #tpu.memory_space<hbm>> -> memref<625x16xi32, #tpu.memory_space<hbm>>
      tpu.wait_dma2 semaphore(%arg8 : memref<!tpu.dma_semaphore, #tpu.memory_space<semaphore_mem>>) src(%dma_wait3A_120 : memref<625x16xi32, #tpu.memory_space<hbm>>) dst(%dma_wait3A_118 : memref<625x16xi32, #tpu.memory_space<vmem>>)
      %mul3A_121 = arith.constant 80000 : i32
      %mul3A_122 = arith.muli %arg0, %mul3A_121 : i32
      %mul3A_123 = arith.constant 625 : i32
      %mul3A_124 = arith.muli %add3A_102, %mul3A_123 : i32
      %add3A_125 = arith.addi %mul3A_122, %mul3A_124 : i32
      %dma_wait3A_126 = arith.constant 0 : i32
      %dma_wait3A_127 = arith.constant 0 : i32
      %dma_wait3A_128 = arith.constant 0 : i32
      %dma_wait3A_129 = tpu.memref_slice %arg7[%dma_wait3A_126, %dma_wait3A_127, %dma_wait3A_128] : memref<2x625x16xf32, #tpu.memory_space<vmem>> -> memref<1x625x16xf32, #tpu.memory_space<vmem>>
      %dma_wait3A_130 = tpu.memref_squeeze %dma_wait3A_129 : memref<1x625x16xf32, #tpu.memory_space<vmem>> -> memref<625x16xf32, #tpu.memory_space<vmem>>
      %dma_wait3A_131 = tpu.memref_slice %arg3[%add3A_125, %mul3A_20] : memref<160000x128xf32, #tpu.memory_space<hbm>> -> memref<625x16xf32, #tpu.memory_space<hbm>>
      %dma_wait3A_132 = arith.constant 0 : i32
      %dma_wait3A_133 = arith.constant 0 : i32
      %dma_wait3A_134 = tpu.memref_slice %arg7[%dma_wait3A_126, %dma_wait3A_132, %dma_wait3A_133] : memref<2x625x16xf32, #tpu.memory_space<vmem>> -> memref<1x625x16xf32, #tpu.memory_space<vmem>>
      %dma_wait3A_135 = tpu.memref_squeeze %dma_wait3A_134 : memref<1x625x16xf32, #tpu.memory_space<vmem>> -> memref<625x16xf32, #tpu.memory_space<vmem>>
      %dma_wait3A_136 = tpu.memref_slice %arg3[%add3A_125, %mul3A_20] : memref<160000x128xf32, #tpu.memory_space<hbm>> -> memref<625x16xf32, #tpu.memory_space<hbm>>
      tpu.wait_dma2 semaphore(%arg9 : memref<!tpu.dma_semaphore, #tpu.memory_space<semaphore_mem>>) src(%dma_wait3A_136 : memref<625x16xf32, #tpu.memory_space<hbm>>) dst(%dma_wait3A_135 : memref<625x16xf32, #tpu.memory_space<vmem>>)
      %parallel_loop3A = arith.constant 0 : i32
      %parallel_loop3A_137 = arith.constant 625 : i32
      %parallel_loop3A_138 = arith.constant 1 : i32
      scf.for %parallel_loop3A_192 = %parallel_loop3A to %parallel_loop3A_137 step %parallel_loop3A_138  : i32 {
        %parallel_loop3A_193 = arith.constant 0 : i32
        %parallel_loop3A_194 = arith.index_cast %parallel_loop3A_193 : i32 to index
        %parallel_loop3A_195 = arith.index_cast %parallel_loop3A_192 : i32 to index
        %parallel_loop3A_196 = arith.constant 0 : index
        %parallel_loop3A_197 = tpu.vector_load %arg6[%parallel_loop3A_194, %parallel_loop3A_195, %parallel_loop3A_196] {strides = array<i32>} : memref<2x625x16xi32, #tpu.memory_space<vmem>>, vector<16xi32>,
        %parallel_loop3A_198 = arith.constant 0 : i32
        %parallel_loop3A_199 = arith.index_cast %parallel_loop3A_198 : i32 to index
        %parallel_loop3A_200 = arith.index_cast %parallel_loop3A_192 : i32 to index
        %parallel_loop3A_201 = arith.constant 0 : index
        %parallel_loop3A_202 = tpu.vector_load %arg7[%parallel_loop3A_199, %parallel_loop3A_200, %parallel_loop3A_201] {strides = array<i32>} : memref<2x625x16xf32, #tpu.memory_space<vmem>>, vector<16xf32>,
        %parallel_loop3A_203 = vector.broadcast %mul3A_18 : i32 to vector<16xi32>
        %parallel_loop3A_204 = arith.subi %parallel_loop3A_197, %parallel_loop3A_203 : vector<16xi32>
        %parallel_loop3A_205 = vector.bitcast %parallel_loop3A_204 : vector<16xi32> to vector<16xi32>
        %parallel_loop3A_206 = vector.broadcast %scan3A_92 : i32 to vector<16xi32>
        %parallel_loop3A_207 = arith.cmpi ult, %parallel_loop3A_205, %parallel_loop3A_206 : vector<16xi32>
        tpu.vector_store_idx %arg5[%parallel_loop3A_204, %iota3A], %parallel_loop3A_202 masked %parallel_loop3A_207 {add = true} : memref<5000x16xf32, #tpu.memory_space<vmem>>[vector<16xi32>, vector<16xi32>], vector<16xf32>, vector<16xi1>
      } {sc.loop_unroll_factor = 8 : i64, sc.parallel_access}
      %add3A_139 = arith.constant 2 : i32
      %add3A_140 = arith.addi %add3A_102, %add3A_139 : i32
      %lt3A = arith.constant 128 : i32
      %lt3A_141 = arith.cmpi slt, %add3A_140, %lt3A : i32
      %convert_element_type3A = arith.extui %lt3A_141 : i1 to i32
      %cond3A = arith.constant 0 : i32
      %cond3A_142 = arith.cmpi ne, %convert_element_type3A, %cond3A : i32
      scf.if %cond3A_142 {
        %add3A_192 = arith.constant 2 : i32
        %add3A_193 = arith.addi %add3A_102, %add3A_192 : i32
        %mul3A_194 = arith.constant 80000 : i32
        %mul3A_195 = arith.muli %arg0, %mul3A_194 : i32
        %mul3A_196 = arith.constant 625 : i32
        %mul3A_197 = arith.muli %add3A_193, %mul3A_196 : i32
        %add3A_198 = arith.addi %mul3A_195, %mul3A_197 : i32
        %dma_start3A_199 = arith.constant 0 : i32
        %dma_start3A_200 = arith.constant 0 : i32
        %dma_start3A_201 = arith.constant 0 : i32
        %dma_start3A_202 = arith.constant 0 : i32
        %dma_start3A_203 = tpu.memref_slice %arg6[%dma_start3A_200, %dma_start3A_201, %dma_start3A_202] : memref<2x625x16xi32, #tpu.memory_space<vmem>> -> memref<1x625x16xi32, #tpu.memory_space<vmem>>
        %dma_start3A_204 = tpu.memref_squeeze %dma_start3A_203 : memref<1x625x16xi32, #tpu.memory_space<vmem>> -> memref<625x16xi32, #tpu.memory_space<vmem>>
        %dma_start3A_205 = tpu.memref_slice %arg2[%add3A_198, %dma_start3A_199, %mul3A_20] : memref<160000x2x128xi32, #tpu.memory_space<hbm>> -> memref<625x1x16xi32, #tpu.memory_space<hbm>>
        %dma_start3A_206 = tpu.memref_squeeze %dma_start3A_205 : memref<625x1x16xi32, #tpu.memory_space<hbm>> -> memref<625x16xi32, #tpu.memory_space<hbm>>
        %dma_start3A_207 = arith.constant 0 : i32
        %dma_start3A_208 = arith.constant 0 : i32
        %dma_start3A_209 = tpu.memref_slice %arg6[%dma_start3A_200, %dma_start3A_207, %dma_start3A_208] : memref<2x625x16xi32, #tpu.memory_space<vmem>> -> memref<1x625x16xi32, #tpu.memory_space<vmem>>
        %dma_start3A_210 = tpu.memref_squeeze %dma_start3A_209 : memref<1x625x16xi32, #tpu.memory_space<vmem>> -> memref<625x16xi32, #tpu.memory_space<vmem>>
        %dma_start3A_211 = tpu.memref_slice %arg2[%add3A_198, %dma_start3A_199, %mul3A_20] : memref<160000x2x128xi32, #tpu.memory_space<hbm>> -> memref<625x1x16xi32, #tpu.memory_space<hbm>>
        %dma_start3A_212 = tpu.memref_squeeze %dma_start3A_211 : memref<625x1x16xi32, #tpu.memory_space<hbm>> -> memref<625x16xi32, #tpu.memory_space<hbm>>
        tpu.enqueue_dma source(%dma_start3A_212 : memref<625x16xi32, #tpu.memory_space<hbm>>) target(%dma_start3A_210 : memref<625x16xi32, #tpu.memory_space<vmem>>) target_semaphore(%arg8 : memref<!tpu.dma_semaphore, #tpu.memory_space<semaphore_mem>>)
        %mul3A_213 = arith.constant 80000 : i32
        %mul3A_214 = arith.muli %arg0, %mul3A_213 : i32
        %mul3A_215 = arith.constant 625 : i32
        %mul3A_216 = arith.muli %add3A_193, %mul3A_215 : i32
        %add3A_217 = arith.addi %mul3A_214, %mul3A_216 : i32
        %dma_start3A_218 = arith.constant 0 : i32
        %dma_start3A_219 = arith.constant 0 : i32
        %dma_start3A_220 = arith.constant 0 : i32
        %dma_start3A_221 = tpu.memref_slice %arg7[%dma_start3A_218, %dma_start3A_219, %dma_start3A_220] : memref<2x625x16xf32, #tpu.memory_space<vmem>> -> memref<1x625x16xf32, #tpu.memory_space<vmem>>
        %dma_start3A_222 = tpu.memref_squeeze %dma_start3A_221 : memref<1x625x16xf32, #tpu.memory_space<vmem>> -> memref<625x16xf32, #tpu.memory_space<vmem>>
        %dma_start3A_223 = tpu.memref_slice %arg3[%add3A_217, %mul3A_20] : memref<160000x128xf32, #tpu.memory_space<hbm>> -> memref<625x16xf32, #tpu.memory_space<hbm>>
        %dma_start3A_224 = arith.constant 0 : i32
        %dma_start3A_225 = arith.constant 0 : i32
        %dma_start3A_226 = tpu.memref_slice %arg7[%dma_start3A_218, %dma_start3A_224, %dma_start3A_225] : memref<2x625x16xf32, #tpu.memory_space<vmem>> -> memref<1x625x16xf32, #tpu.memory_space<vmem>>
        %dma_start3A_227 = tpu.memref_squeeze %dma_start3A_226 : memref<1x625x16xf32, #tpu.memory_space<vmem>> -> memref<625x16xf32, #tpu.memory_space<vmem>>
        %dma_start3A_228 = tpu.memref_slice %arg3[%add3A_217, %mul3A_20] : memref<160000x128xf32, #tpu.memory_space<hbm>> -> memref<625x16xf32, #tpu.memory_space<hbm>>
        tpu.enqueue_dma source(%dma_start3A_228 : memref<625x16xf32, #tpu.memory_space<hbm>>) target(%dma_start3A_227 : memref<625x16xf32, #tpu.memory_space<vmem>>) target_semaphore(%arg9 : memref<!tpu.dma_semaphore, #tpu.memory_space<semaphore_mem>>)
      } else {
      }
      %mul3A_143 = arith.constant 2 : i32
      %mul3A_144 = arith.muli %mul3A_143, %scan3A_98 : i32
      %add3A_145 = arith.constant 1 : i32
      %add3A_146 = arith.addi %mul3A_144, %add3A_145 : i32
      %mul3A_147 = arith.constant 80000 : i32
      %mul3A_148 = arith.muli %arg0, %mul3A_147 : i32
      %mul3A_149 = arith.constant 625 : i32
      %mul3A_150 = arith.muli %add3A_146, %mul3A_149 : i32
      %add3A_151 = arith.addi %mul3A_148, %mul3A_150 : i32
      %dma_wait3A_152 = arith.constant 0 : i32
      %dma_wait3A_153 = arith.constant 1 : i32
      %dma_wait3A_154 = arith.constant 0 : i32
      %dma_wait3A_155 = arith.constant 0 : i32
      %dma_wait3A_156 = tpu.memref_slice %arg6[%dma_wait3A_153, %dma_wait3A_154, %dma_wait3A_155] : memref<2x625x16xi32, #tpu.memory_space<vmem>> -> memref<1x625x16xi32, #tpu.memory_space<vmem>>
      %dma_wait3A_157 = tpu.memref_squeeze %dma_wait3A_156 : memref<1x625x16xi32, #tpu.memory_space<vmem>> -> memref<625x16xi32, #tpu.memory_space<vmem>>
      %dma_wait3A_158 = tpu.memref_slice %arg2[%add3A_151, %dma_wait3A_152, %mul3A_20] : memref<160000x2x128xi32, #tpu.memory_space<hbm>> -> memref<625x1x16xi32, #tpu.memory_space<hbm>>
      %dma_wait3A_159 = tpu.memref_squeeze %dma_wait3A_158 : memref<625x1x16xi32, #tpu.memory_space<hbm>> -> memref<625x16xi32, #tpu.memory_space<hbm>>
      %dma_wait3A_160 = arith.constant 0 : i32
      %dma_wait3A_161 = arith.constant 0 : i32
      %dma_wait3A_162 = tpu.memref_slice %arg6[%dma_wait3A_153, %dma_wait3A_160, %dma_wait3A_161] : memref<2x625x16xi32, #tpu.memory_space<vmem>> -> memref<1x625x16xi32, #tpu.memory_space<vmem>>
      %dma_wait3A_163 = tpu.memref_squeeze %dma_wait3A_162 : memref<1x625x16xi32, #tpu.memory_space<vmem>> -> memref<625x16xi32, #tpu.memory_space<vmem>>
      %dma_wait3A_164 = tpu.memref_slice %arg2[%add3A_151, %dma_wait3A_152, %mul3A_20] : memref<160000x2x128xi32, #tpu.memory_space<hbm>> -> memref<625x1x16xi32, #tpu.memory_space<hbm>>
      %dma_wait3A_165 = tpu.memref_squeeze %dma_wait3A_164 : memref<625x1x16xi32, #tpu.memory_space<hbm>> -> memref<625x16xi32, #tpu.memory_space<hbm>>
      tpu.wait_dma2 semaphore(%arg10 : memref<!tpu.dma_semaphore, #tpu.memory_space<semaphore_mem>>) src(%dma_wait3A_165 : memref<625x16xi32, #tpu.memory_space<hbm>>) dst(%dma_wait3A_163 : memref<625x16xi32, #tpu.memory_space<vmem>>)
      %mul3A_166 = arith.constant 80000 : i32
      %mul3A_167 = arith.muli %arg0, %mul3A_166 : i32
      %mul3A_168 = arith.constant 625 : i32
      %mul3A_169 = arith.muli %add3A_146, %mul3A_168 : i32
      %add3A_170 = arith.addi %mul3A_167, %mul3A_169 : i32
      %dma_wait3A_171 = arith.constant 1 : i32
      %dma_wait3A_172 = arith.constant 0 : i32
      %dma_wait3A_173 = arith.constant 0 : i32
      %dma_wait3A_174 = tpu.memref_slice %arg7[%dma_wait3A_171, %dma_wait3A_172, %dma_wait3A_173] : memref<2x625x16xf32, #tpu.memory_space<vmem>> -> memref<1x625x16xf32, #tpu.memory_space<vmem>>
      %dma_wait3A_175 = tpu.memref_squeeze %dma_wait3A_174 : memref<1x625x16xf32, #tpu.memory_space<vmem>> -> memref<625x16xf32, #tpu.memory_space<vmem>>
      %dma_wait3A_176 = tpu.memref_slice %arg3[%add3A_170, %mul3A_20] : memref<160000x128xf32, #tpu.memory_space<hbm>> -> memref<625x16xf32, #tpu.memory_space<hbm>>
      %dma_wait3A_177 = arith.constant 0 : i32
      %dma_wait3A_178 = arith.constant 0 : i32
      %dma_wait3A_179 = tpu.memref_slice %arg7[%dma_wait3A_171, %dma_wait3A_177, %dma_wait3A_178] : memref<2x625x16xf32, #tpu.memory_space<vmem>> -> memref<1x625x16xf32, #tpu.memory_space<vmem>>
      %dma_wait3A_180 = tpu.memref_squeeze %dma_wait3A_179 : memref<1x625x16xf32, #tpu.memory_space<vmem>> -> memref<625x16xf32, #tpu.memory_space<vmem>>
      %dma_wait3A_181 = tpu.memref_slice %arg3[%add3A_170, %mul3A_20] : memref<160000x128xf32, #tpu.memory_space<hbm>> -> memref<625x16xf32, #tpu.memory_space<hbm>>
      tpu.wait_dma2 semaphore(%arg11 : memref<!tpu.dma_semaphore, #tpu.memory_space<semaphore_mem>>) src(%dma_wait3A_181 : memref<625x16xf32, #tpu.memory_space<hbm>>) dst(%dma_wait3A_180 : memref<625x16xf32, #tpu.memory_space<vmem>>)
      %parallel_loop3A_182 = arith.constant 0 : i32
      %parallel_loop3A_183 = arith.constant 625 : i32
      %parallel_loop3A_184 = arith.constant 1 : i32
      scf.for %parallel_loop3A_192 = %parallel_loop3A_182 to %parallel_loop3A_183 step %parallel_loop3A_184  : i32 {
        %parallel_loop3A_193 = arith.constant 1 : i32
        %parallel_loop3A_194 = arith.index_cast %parallel_loop3A_193 : i32 to index
        %parallel_loop3A_195 = arith.index_cast %parallel_loop3A_192 : i32 to index
        %parallel_loop3A_196 = arith.constant 0 : index
        %parallel_loop3A_197 = tpu.vector_load %arg6[%parallel_loop3A_194, %parallel_loop3A_195, %parallel_loop3A_196] {strides = array<i32>} : memref<2x625x16xi32, #tpu.memory_space<vmem>>, vector<16xi32>,
        %parallel_loop3A_198 = arith.constant 1 : i32
        %parallel_loop3A_199 = arith.index_cast %parallel_loop3A_198 : i32 to index
        %parallel_loop3A_200 = arith.index_cast %parallel_loop3A_192 : i32 to index
        %parallel_loop3A_201 = arith.constant 0 : index
        %parallel_loop3A_202 = tpu.vector_load %arg7[%parallel_loop3A_199, %parallel_loop3A_200, %parallel_loop3A_201] {strides = array<i32>} : memref<2x625x16xf32, #tpu.memory_space<vmem>>, vector<16xf32>,
        %parallel_loop3A_203 = vector.broadcast %mul3A_18 : i32 to vector<16xi32>
        %parallel_loop3A_204 = arith.subi %parallel_loop3A_197, %parallel_loop3A_203 : vector<16xi32>
        %parallel_loop3A_205 = vector.bitcast %parallel_loop3A_204 : vector<16xi32> to vector<16xi32>
        %parallel_loop3A_206 = vector.broadcast %scan3A_92 : i32 to vector<16xi32>
        %parallel_loop3A_207 = arith.cmpi ult, %parallel_loop3A_205, %parallel_loop3A_206 : vector<16xi32>
        tpu.vector_store_idx %arg5[%parallel_loop3A_204, %iota3A], %parallel_loop3A_202 masked %parallel_loop3A_207 {add = true} : memref<5000x16xf32, #tpu.memory_space<vmem>>[vector<16xi32>, vector<16xi32>], vector<16xf32>, vector<16xi1>
      } {sc.loop_unroll_factor = 8 : i64, sc.parallel_access}
      %add3A_185 = arith.constant 2 : i32
      %add3A_186 = arith.addi %add3A_146, %add3A_185 : i32
      %lt3A_187 = arith.constant 128 : i32
      %lt3A_188 = arith.cmpi slt, %add3A_186, %lt3A_187 : i32
      %convert_element_type3A_189 = arith.extui %lt3A_188 : i1 to i32
      %cond3A_190 = arith.constant 0 : i32
      %cond3A_191 = arith.cmpi ne, %convert_element_type3A_189, %cond3A_190 : i32
      scf.if %cond3A_191 {
        %add3A_192 = arith.constant 2 : i32
        %add3A_193 = arith.addi %add3A_146, %add3A_192 : i32
        %mul3A_194 = arith.constant 80000 : i32
        %mul3A_195 = arith.muli %arg0, %mul3A_194 : i32
        %mul3A_196 = arith.constant 625 : i32
        %mul3A_197 = arith.muli %add3A_193, %mul3A_196 : i32
        %add3A_198 = arith.addi %mul3A_195, %mul3A_197 : i32
        %dma_start3A_199 = arith.constant 0 : i32
        %dma_start3A_200 = arith.constant 1 : i32
        %dma_start3A_201 = arith.constant 0 : i32
        %dma_start3A_202 = arith.constant 0 : i32
        %dma_start3A_203 = tpu.memref_slice %arg6[%dma_start3A_200, %dma_start3A_201, %dma_start3A_202] : memref<2x625x16xi32, #tpu.memory_space<vmem>> -> memref<1x625x16xi32, #tpu.memory_space<vmem>>
        %dma_start3A_204 = tpu.memref_squeeze %dma_start3A_203 : memref<1x625x16xi32, #tpu.memory_space<vmem>> -> memref<625x16xi32, #tpu.memory_space<vmem>>
        %dma_start3A_205 = tpu.memref_slice %arg2[%add3A_198, %dma_start3A_199, %mul3A_20] : memref<160000x2x128xi32, #tpu.memory_space<hbm>> -> memref<625x1x16xi32, #tpu.memory_space<hbm>>
        %dma_start3A_206 = tpu.memref_squeeze %dma_start3A_205 : memref<625x1x16xi32, #tpu.memory_space<hbm>> -> memref<625x16xi32, #tpu.memory_space<hbm>>
        %dma_start3A_207 = arith.constant 0 : i32
        %dma_start3A_208 = arith.constant 0 : i32
        %dma_start3A_209 = tpu.memref_slice %arg6[%dma_start3A_200, %dma_start3A_207, %dma_start3A_208] : memref<2x625x16xi32, #tpu.memory_space<vmem>> -> memref<1x625x16xi32, #tpu.memory_space<vmem>>
        %dma_start3A_210 = tpu.memref_squeeze %dma_start3A_209 : memref<1x625x16xi32, #tpu.memory_space<vmem>> -> memref<625x16xi32, #tpu.memory_space<vmem>>
        %dma_start3A_211 = tpu.memref_slice %arg2[%add3A_198, %dma_start3A_199, %mul3A_20] : memref<160000x2x128xi32, #tpu.memory_space<hbm>> -> memref<625x1x16xi32, #tpu.memory_space<hbm>>
        %dma_start3A_212 = tpu.memref_squeeze %dma_start3A_211 : memref<625x1x16xi32, #tpu.memory_space<hbm>> -> memref<625x16xi32, #tpu.memory_space<hbm>>
        tpu.enqueue_dma source(%dma_start3A_212 : memref<625x16xi32, #tpu.memory_space<hbm>>) target(%dma_start3A_210 : memref<625x16xi32, #tpu.memory_space<vmem>>) target_semaphore(%arg10 : memref<!tpu.dma_semaphore, #tpu.memory_space<semaphore_mem>>)
        %mul3A_213 = arith.constant 80000 : i32
        %mul3A_214 = arith.muli %arg0, %mul3A_213 : i32
        %mul3A_215 = arith.constant 625 : i32
        %mul3A_216 = arith.muli %add3A_193, %mul3A_215 : i32
        %add3A_217 = arith.addi %mul3A_214, %mul3A_216 : i32
        %dma_start3A_218 = arith.constant 1 : i32
        %dma_start3A_219 = arith.constant 0 : i32
        %dma_start3A_220 = arith.constant 0 : i32
        %dma_start3A_221 = tpu.memref_slice %arg7[%dma_start3A_218, %dma_start3A_219, %dma_start3A_220] : memref<2x625x16xf32, #tpu.memory_space<vmem>> -> memref<1x625x16xf32, #tpu.memory_space<vmem>>
        %dma_start3A_222 = tpu.memref_squeeze %dma_start3A_221 : memref<1x625x16xf32, #tpu.memory_space<vmem>> -> memref<625x16xf32, #tpu.memory_space<vmem>>
        %dma_start3A_223 = tpu.memref_slice %arg3[%add3A_217, %mul3A_20] : memref<160000x128xf32, #tpu.memory_space<hbm>> -> memref<625x16xf32, #tpu.memory_space<hbm>>
        %dma_start3A_224 = arith.constant 0 : i32
        %dma_start3A_225 = arith.constant 0 : i32
        %dma_start3A_226 = tpu.memref_slice %arg7[%dma_start3A_218, %dma_start3A_224, %dma_start3A_225] : memref<2x625x16xf32, #tpu.memory_space<vmem>> -> memref<1x625x16xf32, #tpu.memory_space<vmem>>
        %dma_start3A_227 = tpu.memref_squeeze %dma_start3A_226 : memref<1x625x16xf32, #tpu.memory_space<vmem>> -> memref<625x16xf32, #tpu.memory_space<vmem>>
        %dma_start3A_228 = tpu.memref_slice %arg3[%add3A_217, %mul3A_20] : memref<160000x128xf32, #tpu.memory_space<hbm>> -> memref<625x16xf32, #tpu.memory_space<hbm>>
        tpu.enqueue_dma source(%dma_start3A_228 : memref<625x16xf32, #tpu.memory_space<hbm>>) target(%dma_start3A_227 : memref<625x16xf32, #tpu.memory_space<vmem>>) target_semaphore(%arg11 : memref<!tpu.dma_semaphore, #tpu.memory_space<semaphore_mem>>)
      } else {
      }
    }
    %scan3A_97 = arith.constant 64 : i32
    "tpu.region"() ({
      %run_scoped3A = tpu.sem_alloc : memref<!tpu.dma_semaphore, #tpu.memory_space<semaphore_mem>>
      %dma_start3A_98 = tpu.memref_slice %arg4[%arg0, %mul3A_18, %mul3A_20] : memref<2x10000x128xf32, #tpu.memory_space<hbm>> -> memref<1x5000x16xf32, #tpu.memory_space<hbm>>
      %dma_start3A_99 = tpu.memref_squeeze %dma_start3A_98 : memref<1x5000x16xf32, #tpu.memory_space<hbm>> -> memref<5000x16xf32, #tpu.memory_space<hbm>>
      %dma_start3A_100 = tpu.memref_slice %arg4[%arg0, %mul3A_18, %mul3A_20] : memref<2x10000x128xf32, #tpu.memory_space<hbm>> -> memref<1x5000x16xf32, #tpu.memory_space<hbm>>
      %dma_start3A_101 = tpu.memref_squeeze %dma_start3A_100 : memref<1x5000x16xf32, #tpu.memory_space<hbm>> -> memref<5000x16xf32, #tpu.memory_space<hbm>>
      tpu.enqueue_dma source(%arg5 : memref<5000x16xf32, #tpu.memory_space<vmem>>) target(%dma_start3A_101 : memref<5000x16xf32, #tpu.memory_space<hbm>>) target_semaphore(%run_scoped3A : memref<!tpu.dma_semaphore, #tpu.memory_space<semaphore_mem>>)
      %dma_wait3A = tpu.memref_slice %arg4[%arg0, %mul3A_18, %mul3A_20] : memref<2x10000x128xf32, #tpu.memory_space<hbm>> -> memref<1x5000x16xf32, #tpu.memory_space<hbm>>
      %dma_wait3A_102 = tpu.memref_squeeze %dma_wait3A : memref<1x5000x16xf32, #tpu.memory_space<hbm>> -> memref<5000x16xf32, #tpu.memory_space<hbm>>
      %dma_wait3A_103 = tpu.memref_slice %arg4[%arg0, %mul3A_18, %mul3A_20] : memref<2x10000x128xf32, #tpu.memory_space<hbm>> -> memref<1x5000x16xf32, #tpu.memory_space<hbm>>
      %dma_wait3A_104 = tpu.memref_squeeze %dma_wait3A_103 : memref<1x5000x16xf32, #tpu.memory_space<hbm>> -> memref<5000x16xf32, #tpu.memory_space<hbm>>
      tpu.wait_dma2 semaphore(%run_scoped3A : memref<!tpu.dma_semaphore, #tpu.memory_space<semaphore_mem>>) src(%arg5 : memref<5000x16xf32, #tpu.memory_space<vmem>>) dst(%dma_wait3A_104 : memref<5000x16xf32, #tpu.memory_space<hbm>>)
      tpu.yield
    }) : () -> ()
    return
  }
}

module attributes {stable_mosaic.version = 14 : i64} {
  func.func @_add_body(%arg0: i32, %arg1: memref<2x1000x128xf32, #tpu.memory_space<vmem>>, %arg2: memref<1000x128xf32, #tpu.memory_space<vmem>>) attributes {dimension_semantics = [#tpu.dimension_semantics<arbitrary>], iteration_bounds = array<i64: 10>, scalar_prefetch = 0 : i64, scratch_operands = 0 : i64, tpu.core_type = #tpu.core_type<tc>, window_params = [{transform_indices = @transform_0, window_bounds = array<i64: 2, 1000, 128>}, {transform_indices = @transform_1, window_bounds = array<i64: 1000, 128>}]} {
    %get3A = arith.constant 0 : index
    %get3A_0 = arith.constant 0 : index
    %get3A_1 = arith.constant 0 : index
    %get3A_2 = vector.load %arg1[%get3A, %get3A_0, %get3A_1] : memref<2x1000x128xf32, #tpu.memory_space<vmem>>, vector<1x1000x128xf32>
    %get3A_3 = vector.shape_cast %get3A_2 : vector<1x1000x128xf32> to vector<1000x128xf32>
    %get3A_4 = arith.constant 1 : index
    %get3A_5 = arith.constant 0 : index
    %get3A_6 = arith.constant 0 : index
    %get3A_7 = vector.load %arg1[%get3A_4, %get3A_5, %get3A_6] : memref<2x1000x128xf32, #tpu.memory_space<vmem>>, vector<1x1000x128xf32>
    %get3A_8 = vector.shape_cast %get3A_7 : vector<1x1000x128xf32> to vector<1000x128xf32>
    %add3A = arith.addf %get3A_3, %get3A_8 : vector<1000x128xf32>
    %swap3A = arith.constant 0 : index
    %swap3A_9 = arith.constant 0 : index
    %swap3A_10 = vector.load %arg2[%swap3A, %swap3A_9] : memref<1000x128xf32, #tpu.memory_space<vmem>>, vector<1000x128xf32>
    tpu.vector_store %arg2[%swap3A, %swap3A_9], %add3A {strides = array<i32>} : memref<1000x128xf32, #tpu.memory_space<vmem>>, vector<1000x128xf32>,
    return
  }
  func.func @transform_0(%arg0: i32) -> (i32, i32, i32) {
    %c0_i32 = arith.constant 0 : i32
    %c0_i32_0 = arith.constant 0 : i32
    %c0_i32_1 = arith.constant 0 : i32
    return %c0_i32, %arg0, %c0_i32_0 : i32, i32, i32
  }
  func.func @transform_1(%arg0: i32) -> (i32, i32) {
    %c0_i32 = arith.constant 0 : i32
    %c0_i32_0 = arith.constant 0 : i32
    return %arg0, %c0_i32 : i32, i32
  }
}

</mosaic_0001>

<sc_bundles>
// kernel: kernel.4.cloned.1.call-start
scs
__scs_entry_jumppad:
0x0: {  	(pc) =	sbr.rel $0x88, $3  }
0x1: {  	(tag) =	ssettag $0x0;
	lr =	simm.s32 $0x1  }
0x2: {  	[smem:$0x3F9F] =	sst lr;
	_ =	strace $0xD0000000  }
0x3: {  	_ = 	snop  }
0x4: {  	_ = 	snop  }
0x5: {  	_ = 	snop  }
0x6: {  	_ = 	snop  }
0x7: {  	_ = 	snop  }
__scs_overlays_trampoline_lowered:
0x8: {  	[smem:$0x3FAE] =	sst s0  }
0x9: {  	[smem:$0x3FAF] =	sst s1  }
0xa: {  	[smem:$0x3FB0] =	sst s2  }
0xb: {  	[smem:$0x3FB1] =	sst s3  }
0xc: {  	[smem:$0x3FB2] =	sst s4  }
0xd: {  	[smem:$0x3FB3] =	sst s5  }
0xe: {  	[smem:$0x3FB4] =	sst s6  }
0xf: {  	[smem:$0x3FB5] =	sst s7  }
0x10: {  	[smem:$0x3FB6] =	sst s8  }
0x11: {  	[smem:$0x3FB7] =	sst s9;
	s0 =	simm.s32 @!p0 $0x0  }
0x12: {  	s1 =	sld [smem:$0x3F9D];
	s0 =	simm.s32 @p0 $0x1  }
0x13: {  	[smem:$0x3FB8] =	sst s0;
	s0 =	simm.s32 @!p1 $0x0  }
0x14: {  	s2 =	sld [smem:$0x3F9C];
	s0 =	simm.s32 @p1 $0x1  }
0x15: {  	[smem:$0x3FB9] =	sst s0;
	s0 =	simm.s32 @!p2 $0x0  }
0x16: {  	s3 =	sld [smem:$0x3FDB];
	s0 =	simm.s32 @p2 $0x1  }
0x17: {  	s4 =	simm.s32 $0x1BF5;
	[smem:$0x3FBB] =	sst s0  }
0x18: {  	s0 =	sld [smem:$0x3F9E];
	_ =	swait.ge [sflag:s4], $0x0  }
0x19: {  	s7 =	sld [smem:$0x3F9F]  }
0x1a: {  	s8 =	sadd.s32 $0xFFFFE003, lr  }
0x1b: {  	s9 =	sadd.s32 $0xFFFFFEF7, lr;
	s5 =	simm.s32 $0xFFFFFFFF;
	p2 =	slt.u32 s8, $0xFFFFF086  }
0x1c: {  	p1 =	slt.u32 s9, $0xF7A;
	s5 =	simm.s32 @!p2 $0x0  }
0x1d: {  	s5 =	simm.s32 @p1 $0x1;
	p0 =	seq.s32 s7, s2  }
0x1e: {  	s7 =	smul.u32 @!p0 $0xF7A, s2;
	p2 =	seq.s32 @!p0 s5, $0x0  }
0x1f: {  	s9 =	smul.u32 $0xF7A, s1;
	s8 =	simm.s32 @!p0 $0x1BF5;
	p2 =	por !p2, p0  }
0x20: {  	[sflag:s8] =	ssyncset.s32 @!p0 $0xFFFFF086;
	s6 =	sadd.s32 @!p0 s3, s7;
	s7 =	simm.s32 @!p0 $0x108  }
0x21: {  	s3 =	sadd.s32 s3, s9;
	s6 =	sadd.s32 @!p0 $0x88, s6;
	s7 =	simm.s32 @p2 $0x1082  }
0x22: {  	[simem:s7], [sflag:s8] =	dma.local @!p0 [hbm:s6], $0xF7A  }
0x23: {  	s9 =	sor.u32 $0xD0000000, s2;
	s6 =	simm.s32 $0x108;
	_ =	swait.ge @!p0 [sflag:s8], $0x0  }
0x24: {  	s3 =	sadd.s32 $0x88, s3;
	s6 =	simm.s32 @!p1 $0x1082;
	[sflag:s4] =	ssyncset.s32 $0xFFFFF086  }
0x25: {  	[simem:s6], [sflag:s4] =	dma.local [hbm:s3], $0xF7A  }
0x26: {  	[smem:$0x3F9F] =	sst s1;
	(tag) =	ssettag s2;
	_ =	strace s9  }
0x27: {  	s1 =	sld [smem:$0x3FAF]  }
0x28: {  	s2 =	sld [smem:$0x3FB0]  }
0x29: {  	s4 =	sld [smem:$0x3FB2]  }
0x2a: {  	p0 =	seq.s32 s5, $0x0;
	s5 =	sld [smem:$0x3FB3]  }
0x2b: {  	s6 =	sld [smem:$0x3FB4]  }
0x2c: {  	s7 =	sld [smem:$0x3FB5]  }
0x2d: {  	s3 =	simm.s32 $0x108;
	s8 =	sld [smem:$0x3FB6]  }
0x2e: {  	s3 =	simm.s32 @!p0 $0x1082;
	s9 =	sld [smem:$0x3FB7]  }
0x2f: {  	lr =	sadd.s32 s0, s3;
	s0 =	sld [smem:$0x3FAE]  }
0x30: {  	s3 =	sld [smem:$0x3FB1]  }
0x31: {  	[smem:$0x3FBA] =	sst s10  }
0x32: {  	s10 =	sld [smem:$0x3FB8];
	_ =	sdelay $0x3  }
0x33: {  	p0 =	seq.s32 s10, $0x1;
	s10 =	sld [smem:$0x3FBA];
	_ =	sdelay $0x3  }
0x34: {  	[smem:$0x3FBA] =	sst s10  }
0x35: {  	s10 =	sld [smem:$0x3FB9];
	_ =	sdelay $0x3  }
0x36: {  	p1 =	seq.s32 s10, $0x1;
	s10 =	sld [smem:$0x3FBA];
	_ =	sdelay $0x3  }
0x37: {  	[smem:$0x3FBA] =	sst s10  }
0x38: {  	s10 =	sld [smem:$0x3FBB]  }
0x39: {  	_ = 	snop;
	(pc) =	sbr.ind lr, $3  }
0x3a: {  	_ = 	snop  }
0x3b: {  	_ = 	snop  }
0x3c: {  	p2 =	seq.s32 s10, $0x1;
	s10 =	sld [smem:$0x3FBA]  }
0x3d: {  	_ =	shalt  }
0x3e: {  	_ =	shalt  }
0x3f: {  	_ =	shalt  }
0x40: {  	_ =	shalt  }
0x41: {  	_ =	shalt  }
0x42: {  	_ =	shalt  }
0x43: {  	_ =	shalt  }
0x44: {  	_ =	shalt  }
0x45: {  	_ =	shalt  }
0x46: {  	_ =	shalt  }
0x47: {  	_ =	shalt  }
0x48: {  	_ =	shalt  }
0x49: {  	_ =	shalt  }
0x4a: {  	_ =	shalt  }
0x4b: {  	_ =	shalt  }
0x4c: {  	_ =	shalt  }
0x4d: {  	_ =	shalt  }
0x4e: {  	_ =	shalt  }
0x4f: {  	_ =	shalt  }
0x50: {  	_ =	shalt  }
0x51: {  	_ =	shalt  }
0x52: {  	_ =	shalt  }
0x53: {  	_ =	shalt  }
0x54: {  	_ =	shalt  }
0x55: {  	_ =	shalt  }
0x56: {  	_ =	shalt  }
0x57: {  	_ =	shalt  }
0x58: {  	_ =	shalt  }
0x59: {  	_ =	shalt  }
0x5a: {  	_ =	shalt  }
0x5b: {  	_ =	shalt  }
0x5c: {  	_ =	shalt  }
0x5d: {  	_ =	shalt  }
0x5e: {  	_ =	shalt  }
0x5f: {  	_ =	shalt  }
0x60: {  	_ =	shalt  }
0x61: {  	_ =	shalt  }
0x62: {  	_ =	shalt  }
0x63: {  	_ =	shalt  }
0x64: {  	_ =	shalt  }
0x65: {  	_ =	shalt  }
0x66: {  	_ =	shalt  }
0x67: {  	_ =	shalt  }
0x68: {  	_ =	shalt  }
0x69: {  	_ =	shalt  }
0x6a: {  	_ =	shalt  }
0x6b: {  	_ =	shalt  }
0x6c: {  	_ =	shalt  }
0x6d: {  	_ =	shalt  }
0x6e: {  	_ =	shalt  }
0x6f: {  	_ =	shalt  }
0x70: {  	_ =	shalt  }
0x71: {  	_ =	shalt  }
0x72: {  	_ =	shalt  }
0x73: {  	_ =	shalt  }
0x74: {  	_ =	shalt  }
0x75: {  	_ =	shalt  }
0x76: {  	_ =	shalt  }
0x77: {  	_ =	shalt  }
0x78: {  	_ =	shalt  }
0x79: {  	_ =	shalt  }
0x7a: {  	_ =	shalt  }
0x7b: {  	_ =	shalt  }
0x7c: {  	_ =	shalt  }
0x7d: {  	_ =	shalt  }
0x7e: {  	_ =	shalt  }
0x7f: {  	_ =	shalt  }
0x80: {  	_ =	shalt  }
0x81: {  	_ =	shalt  }
0x82: {  	_ =	shalt  }
0x83: {  	_ =	shalt  }
0x84: {  	_ =	shalt  }
0x85: {  	_ =	shalt  }
0x86: {  	_ =	shalt  }
0x87: {  	_ =	shalt  }
.Lfunc_end0:
.L_simem_size_0:
called_computation_lowered:
.L_overlay_start_0:
0x88: {  	s2 =	sld [smem:$0x3FD9]  }
0x89: {  	s3 =	sld [smem:$0x3FFE];
	_ =	sdelay $0x1  }
0x8a: {  	s1 =	srdreg.scid  }
0x8b: {  	s0 =	sand.u32 $0x1, s1  }
0x8c: {  	s17 =	sshll.u32 s0, $0xA;
	s2 =	sadd.s32 s3, s2  }
0x8d: {  	s2 =	sadd.s32 s2, s17  }
0x8e: {  	[smem:$0x3FC6] =	sst s2  }
0x8f: {  	_ = 	snop  }
0x90: {  	s2 =	sld [smem:$0x3FC9]  }
0x91: {  	s18 =	sld [smem:$0x3FC8];
	(tm) =	ssettm $0x1  }
0x92: {  	s4 =	sld [smem:$0x3FFB];
	_ =	sdelay $0x3  }
0x93: {  	_ =	strace s4  }
0x94: {  	s4 =	sld [smem:$0x3FFC];
	_ =	sdelay $0x3  }
0x95: {  	_ =	strace s4  }
0x96: {  	s4 =	sld [smem:$0x3FFD];
	_ =	sdelay $0x3  }
0x97: {  	_ =	strace s4  }
0x98: {  	_ =	strace $0x8FFFFFFF  }
0x99: {  	s19 =	sld [smem:$0x3FDB];
	_ =	sdelay $0x1  }
0x9a: {  	s5 =	simm.s32 $_scs_section_size  }
0x9b: {  	s6 =	simm.s32 $_size__tile_overlayer_lowered;
	s7 =	simm.s32 $_tile_overlayer_lowered  }
0x9c: {  	s22 =	simm.s32 $0x1BFF;
	s21 =	sshll.u32 s7, $0x1;
	s4 =	sadd.s32 s5, s19  }
0x9d: {  	s8 =	simm.s32 $0x0;
	s20 =	sshll.u32 s6, $0x1;
	s6 =	sadd.s32 s21, s4  }
0x9e: {  	[timem:s8], [sflag:s22] =	dma.local [hbm:s6], s20  }
0x9f: {  	_ =	swait.ge [sflag:s22], s20  }
0xa0: {  	s5 =	ssub.s32 $0x0, s20;
	[sflag:s22] =	ssyncset.done $0x0  }
0xa1: {  	[sflag:s22] =	ssyncadd.s32 s5;
	_ =	sdelay $0x1  }
0xa2: {  	s23 =	simm.s32 $0x1B8B  }
0xa3: {  	_ =	swait.ge [sflag:s23], $0x1  }
0xa4: {  	[sflag:s23] =	ssyncset.done $0x0  }
0xa5: {  	s25 =	simm.s32 $0x1B8E;
	s24 =	sld [smem:$0x3FFE];
	[sflag:s23] =	ssyncadd.s32 $0xFFFFFFFF  }
0xa6: {  	s26 =	simm.s32 $execute0_lowered;
	[smem:$0x3FD2] =	sst s25  }
0xa7: {  	s6 =	sshll.u32 s26, $0x1;
	_ =	strace $0x80000046;
	[dreg:$0x1] =	wrdreg $0xFFFFFFFF  }
0xa8: {  	s28 =	simm.s32 $_size_execute0_lowered;
	s4 =	sadd.s32 s4, s6;
	[dreg:$0x0] =	wrdreg $0x0  }
0xa9: {  	s6 =	sshll.u32 s28, $0x1;
	[dreg:$0x2] =	wrdreg s4  }
0xaa: {  	[dreg:$0x3] =	wrdreg s6  }
0xab: {  	[dreg:$0x4] =	wrdreg $0xC0  }
0xac: {  	_ =	task [dreg:s8], $0x5FFFF  }
0xad: {  	[dreg:$0x1] =	wrdreg $0xFFFFFFFF  }
0xae: {  	[dreg:$0x0] =	wrdreg $0x60  }
0xaf: {  	[dreg:$0x2] =	wrdreg s2  }
0xb0: {  	[dreg:$0x3] =	wrdreg s18  }
0xb1: {  	[dreg:$0x4] =	wrdreg s24  }
0xb2: {  	[dreg:$0x5] =	wrdreg $0x9  }
0xb3: {  	_ =	task.clear_ibuf [dreg:s8], $0x6FFFF;
	_ =	strace $0x90000046  }
0xb4: {  	s29 =	simm.s32 $0x9;
	_ =	strace $0x80000048  }
0xb5: {  	_ =	swait.ge [sflag:s29], $0x1  }
0xb6: {  	[sflag:s29] =	ssyncadd.s32 $0xFFFFFFFF  }
0xb7: {  	_ =	strace $0x90000048  }
0xb8: {  	_ =	sfence  }
0xb9: {  	s30 =	sld [smem:$0x0];
	_ =	sdelay $0x2  }
0xba: {  	s31 =	sshll.u32 s1, $0xD;
	s1 =	sshrl.u32 s1, $0x2  }
0xbb: {  	s3 =	sand.u32 $0x4000, s31;
	s1 =	sadd.s32 s1, s30  }
0xbc: {  	s0 =	sor.u32 s3, s0;
	s1 =	sshll.u32 s1, $0x11  }
0xbd: {  	s0 =	sor.u32 s1, s0  }
0xbe: {  	s0 =	sadd.s32 $0x8F2B, s0  }
0xbf: {  	[sflag:s0] =	ssyncadd.remote.s32 $0x1  }
0xc0: {  	_ =	sfence.sel $0xFFFF  }
0xc1: {  	[dreg:$0x0] =	wrdreg $0xFFFFFFFF;
	(pc) =	sbr.abs _section_cstart, $3  }
0xc2: {  	[dreg:$0x1] =	wrdreg $0xFFFFFFFF  }
0xc3: {  	_ =	task.clear_ibuf [dreg:s8], $0x2FFFF;
	_ =	strace $0x9FFFFFFF  }
0xc4: {  	(tm) =	ssettm $0x7FFFFFFF  }
0xc5: {  	_ =	shalt  }
tec
execute0_lowered:
.L_overlay_start_1:
0x0: {  	(tag) =	ssettag $0x1  }
0x1: {  	s1 =	rddreg [dreg:$0x0];
	s2 =	srdreg.scid  }
0x2: {  	s3 =	rddreg [dreg:$0x1];
	s0 =	stileid.u32  }
0x3: {  	s7 =	rddreg [dreg:$0x2];
	s4 =	simm.s32 $0x0;
	s16 =	simm.s32 $0x13880  }
0x4: {  	s17 =	simm.s32 $0x80;
	s18 =	simm.s32 $0x186A0;
	s6 =	sand.u32 $0x1, s2  }
0x5: {  	s19 =	simm.s32 $0x15F90;
	s8 =	sshrl.u32 s0, $0x3;
	s9 =	smul.u32 $0x138800, s6  }
0x6: {  	s20 =	simm.s32 $0x1ADB0;
	s21 =	simm.s32 $0x1;
	s10 =	smul.u32 $0x9C400, s8  }
0x7: {  	s22 =	simm.s32 $0x2;
	[smem:$0x7FF] =	sst s4;
	s11 =	smul.u32 $0x1388000, s6  }
0x8: {  	s5 =	sshll.u32 s0, $0x4;
	s23 =	ssub.s32 $0x2, s6;
	s13 =	smul.u32 $0x13880, s6  }
0x9: {  	_ =	strace $0x80000047;
	s25 =	smul.u32 $0x9C4000, s6;
	s12 =	sshrl.u32 s23, $0x1  }
0xa: {  	s5 =	sand.u32 $0x70, s5;
	s9 =	sadd.s32 s9, s10;
	s15 =	ssub.s32 s23, s12  }
0xb: {  	s24 =	sor.u32 s11, s5;
	s26 =	sadd.s32 $0x271, s13;
	s29 =	sor.u32 s25, s5  }
0xc: {  	s10 =	sadd.s32 $0x4E2, s13;
	s11 =	sadd.s32 $0x753, s13;
	s23 =	simm.s32 $0x3  }
0xd: {  	s25 =	simm.s32 $0x5;
	s9 =	sor.u32 s5, s9;
	s28 =	sshll.u32 s26, $0x8  }
0xe: {  	s30 =	sshll.u32 s26, $0x7;
	s13 =	smax.u32 s15, $0x1;
	s9 =	sshrl.u32 s9, $0x3  }
0xf: {  	s14 =	sadd.s32 s9, s7;
	s7 =	sshrl.u32 s24, $0x3;
	s24 =	smul.u32 $0x1388, s8  }
.Ltmp0:
0x10: {  	s15 =	simm.s32 $0x100;
	s26 =	simm.s32 $0x0;
	(pc) =	sbr.rel .LBB2_1-.Ltmp0, $4  }
0x11: {  	s8 =	sshrl.u32 s29, $0x3;
	s9 =	sor.u32 s5, s30;
	s6 =	sadd.s32 s1, s7  }
0x12: {  	s7 =	sor.u32 s5, s28;
	s9 =	sshrl.u32 s9, $0x3;
	s12 =	sadd.s32 $0x600, s14  }
0x13: {  	s14 =	simm.s32 $0x10;
	s31 =	sshrl.u32 s7, $0x3;
	s7 =	sadd.s32 s3, s8  }
0x14: {  	v1 =	vimm.f32 $0.0e+00;
	v2 =	vlaneseq.u32;
	s9 =	sadd.s32 s3, s9;
	v0 =	vmov s24;
	s24 =	simm.s32 $0x4;
	s8 =	sadd.s32 s1, s31  }
.LBB2_10:
0x15: {  	s26 =	sadd.s32 $0x1, s26  }
0x16: {  	p0 =	sne.s32 s26, s13  }
.Ltmp1:
0x17: {  	_ = 	snop;
	(pc) =	sbr.rel @!p0 .LBB2_11-.Ltmp1, $4  }
0x18: {  	[hbm4b:s12+s14] =	stream.strided.scatter [tilespmem:s4], [sflag:$0x5], $0x13880, s17, s14, $0x38;
	[tilespmem:$0x1D4C0] =	vst v63  }
0x19: {  	_ =	swait.ge [sflag:s25], $0x13880  }
0x1a: {  	[sflag:s25] =	ssyncset.done $0x0  }
0x1b: {  	[sflag:s25] =	ssyncadd.s32 $0xFFFEC780  }
.LBB2_1:
0x1c: {  	s28 =	simm.s32 $0x40;
	s29 =	simm.s32 $0x0  }
.LBB2_2:
0x1d: {  	p0 =	sne.s32 s28, $0x4E1C0;
	[tilespmem:s29+$0x0] =	vst v1;
	s29 =	smov.u32 s28;
	s28 =	sadd.s32 $0x40, s28  }
.Ltmp2:
0x1e: {  	(pc) =	sbr.rel @p0 .LBB2_2-.Ltmp2, $2  }
0x1f: {  	_ =	sdelay $0x2  }
0x20: {  	s29 =	sshra.s32 s29, $0x2  }
0x21: {  	[tilespmem:s29+$0x0] =	vst v1  }
0x22: {  	[tilespmem:s16], [sflag:$0x1] =	stream.strided.gather [hbm4b:s6+s14], $0x2710, s15, s14, $0x38;
	[tilespmem:$0x1D4C0] =	vst v63  }
0x23: {  	_ = 	snop  }
0x24: {  	[tilespmem:s18], [sflag:$0x2] =	stream.strided.gather [hbm4b:s7+s14], $0x2710, s17, s14, $0x38;
	[tilespmem:$0x1D4C0] =	vst v63  }
0x25: {  	_ = 	snop  }
0x26: {  	[tilespmem:s19], [sflag:$0x3] =	stream.strided.gather [hbm4b:s8+s14], $0x2710, s15, s14, $0x38;
	[tilespmem:$0x1D4C0] =	vst v63  }
0x27: {  	s28 =	simm.s32 $0x0  }
0x28: {  	[tilespmem:s20], [sflag:$0x4] =	stream.strided.gather [hbm4b:s9+s14], $0x2710, s17, s14, $0x38;
	[tilespmem:$0x1D4C0] =	vst v63  }
.LBB2_4:
0x29: {  	_ =	swait.ge [sflag:s21], $0x2710  }
0x2a: {  	[sflag:s21] =	ssyncset.done $0x0  }
0x2b: {  	[sflag:s21] =	ssyncadd.s32 $0xFFFFD8F0  }
0x2c: {  	_ =	swait.ge [sflag:s22], $0x2710  }
0x2d: {  	[sflag:s22] =	ssyncset.done $0x0  }
0x2e: {  	s30 =	simm.s32 $0x138C0;
	[sflag:s22] =	ssyncadd.s32 $0xFFFFD8F0  }
0x2f: {  	v3 =	vld [tilespmem:s30+$0x30]  }
0x30: {  	v4 =	vld [tilespmem:s30+$0xFFFFFFD0]  }
0x31: {  	v5 =	vld [tilespmem:s30+$0xFFFFFFE0]  }
0x32: {  	v6 =	vld [tilespmem:s30+$0xFFFFFFF0]  }
0x33: {  	v7 =	vld [tilespmem:s30+$0x0]  }
0x34: {  	v8 =	vld [tilespmem:s30+$0x10]  }
0x35: {  	v9 =	vld [tilespmem:s30+$0x20]  }
0x36: {  	v11 =	vld [tilespmem:s30+$0xFFFFFFC0];
	_ =	sdelay $0x2  }
0x37: {  	s29 =	simm.s32 $0x186E0;
	v3 =	vsub.s32 v3, v0;
	v4 =	vsub.s32 v4, v0;
	v5 =	vsub.s32 v5, v0  }
0x38: {  	v10 =	vld [tilespmem:s29+$0x30];
	v6 =	vsub.s32 v6, v0;
	v7 =	vsub.s32 v7, v0;
	v8 =	vsub.s32 v8, v0  }
0x39: {  	v13 =	vld [tilespmem:s29+$0xFFFFFFC0];
	v56 =	vsub.s32 v11, v0;
	v9 =	vsub.s32 v9, v0;
	vm0 =	vlt.u32 v3, $0x1388  }
0x3a: {  	v14 =	vld [tilespmem:s29+$0xFFFFFFD0];
	v3 =	vshll.u32 v3, $0x4;
	v12 =	vshll.u32 v4, $0x4;
	vm1 =	vlt.u32 v4, $0x1388  }
0x3b: {  	v16 =	vld [tilespmem:s29+$0xFFFFFFE0];
	v54 =	vshll.u32 v5, $0x4;
	v15 =	vshll.u32 v6, $0x4;
	v3 =	vor.u32 v2, v3  }
0x3c: {  	v57 =	vld [tilespmem:s29+$0xFFFFFFF0];
	vm2 =	vlt.u32 v5, $0x1388;
	vm15 =	vlt.u32 v6, $0x1388;
	v12 =	vor.u32 v2, v12  }
0x3d: {  	v59 =	vld [tilespmem:s29+$0x0];
	vm3 =	vlt.u32 v56, $0x1388;
	v4 =	vshll.u32 v56, $0x4;
	v58 =	vor.u32 v2, v15  }
0x3e: {  	v61 =	vld [tilespmem:s29+$0x10];
	v55 =	vshll.u32 v7, $0x4;
	vm4 =	vlt.u32 v7, $0x1388;
	v4 =	vor.u32 v2, v4  }
0x3f: {  	v62 =	vld [tilespmem:s29+$0x20];
	v60 =	vshll.u32 v8, $0x4;
	vm5 =	vlt.u32 v8, $0x1388;
	v5 =	vor.u32 v2, v55  }
0x40: {  	v17 =	vshll.u32 v9, $0x4;
	vm6 =	vlt.u32 v9, $0x1388;
	v15 =	vor.u32 v2, v60;
	[tilespmem:v3+s4+$0x0] =	vst.idx.add.f32.msk vm0, v10  }
0x41: {  	v63 =	vor.u32 v2, v17;
	[tilespmem:v12+s4+$0x0] =	vst.idx.add.f32.msk vm1, v14  }
0x42: {  	v3 =	vor.u32 v2, v54;
	[tilespmem:v58+s4+$0x0] =	vst.idx.add.f32.msk vm15, v57  }
0x43: {  	[tilespmem:v4+s4+$0x0] =	vst.idx.add.f32.msk vm3, v13  }
0x44: {  	[tilespmem:v5+s4+$0x0] =	vst.idx.add.f32.msk vm4, v59  }
0x45: {  	[tilespmem:v15+s4+$0x0] =	vst.idx.add.f32.msk vm5, v61  }
0x46: {  	[tilespmem:v63+s4+$0x0] =	vst.idx.add.f32.msk vm6, v62  }
0x47: {  	s31 =	simm.s32 $0x13940;
	s30 =	simm.s32 $0x0;
	[tilespmem:v3+s4+$0x0] =	vst.idx.add.f32.msk vm2, v16  }
.LBB2_5:
0x48: {  	v3 =	vld [tilespmem:s31+$0x30];
	s30 =	sadd.s32 $0x8, s30  }
0x49: {  	v4 =	vld [tilespmem:s31+$0xFFFFFFD0];
	p0 =	slt.u32 s30, $0x268  }
0x4a: {  	v5 =	vld [tilespmem:s31+$0xFFFFFFE0]  }
0x4b: {  	v6 =	vld [tilespmem:s31+$0xFFFFFFF0]  }
0x4c: {  	v7 =	vld [tilespmem:s31+$0x0]  }
0x4d: {  	v8 =	vld [tilespmem:s31+$0x10];
	v3 =	vsub.s32 v3, v0  }
0x4e: {  	s29 =	sadd.s32 $0x80, s29;
	v4 =	vsub.s32 v4, v0;
	v9 =	vld [tilespmem:s31+$0x20];
	vm2 =	vlt.u32 v3, $0x1388;
	v3 =	vshll.u32 v3, $0x4  }
0x4f: {  	v10 =	vshll.u32 v4, $0x4;
	v5 =	vsub.s32 v5, v0;
	v11 =	vld [tilespmem:s29+$0x30];
	v3 =	vor.u32 v2, v3  }
0x50: {  	vm0 =	vlt.u32 v4, $0x1388;
	v12 =	vld [tilespmem:s31+$0xFFFFFFC0];
	v4 =	vshll.u32 v5, $0x4;
	v6 =	vsub.s32 v6, v0  }
0x51: {  	v10 =	vor.u32 v2, v10;
	v13 =	vld [tilespmem:s29+$0xFFFFFFC0];
	v14 =	vshll.u32 v6, $0x4;
	v7 =	vsub.s32 v7, v0  }
0x52: {  	vm1 =	vlt.u32 v5, $0x1388;
	v15 =	vld [tilespmem:s29+$0xFFFFFFD0];
	v5 =	vshll.u32 v7, $0x4;
	v8 =	vsub.s32 v8, v0  }
0x53: {  	v4 =	vor.u32 v2, v4;
	v16 =	vld [tilespmem:s29+$0xFFFFFFE0];
	v17 =	vshll.u32 v8, $0x4;
	v9 =	vsub.s32 v9, v0  }
0x54: {  	vm3 =	vlt.u32 v6, $0x1388;
	v6 =	vor.u32 v2, v14;
	v14 =	vshll.u32 v9, $0x4;
	[tilespmem:v3+s4+$0x0] =	vst.idx.add.f32.msk vm2, v11  }
0x55: {  	v5 =	vor.u32 v2, v5;
	vm2 =	vlt.u32 v7, $0x1388;
	v3 =	vsub.s32 v12, v0;
	v11 =	vld [tilespmem:s29+$0xFFFFFFF0]  }
0x56: {  	vm5 =	vlt.u32 v8, $0x1388;
	vm4 =	vlt.u32 v3, $0x1388;
	v3 =	vshll.u32 v3, $0x4;
	v7 =	vld [tilespmem:s29+$0x0]  }
0x57: {  	vm6 =	vlt.u32 v9, $0x1388;
	v12 =	vor.u32 v2, v17;
	v3 =	vor.u32 v2, v3;
	v8 =	vld [tilespmem:s29+$0x10]  }
0x58: {  	v14 =	vor.u32 v2, v14;
	v9 =	vld [tilespmem:s29+$0x20]  }
0x59: {  	[tilespmem:v10+s4+$0x0] =	vst.idx.add.f32.msk vm0, v15  }
0x5a: {  	[tilespmem:v4+s4+$0x0] =	vst.idx.add.f32.msk vm1, v16  }
.Ltmp3:
0x5b: {  	[tilespmem:v6+s4+$0x0] =	vst.idx.add.f32.msk vm3, v11;
	(pc) =	sbr.rel @p0 .LBB2_5-.Ltmp3, $4  }
0x5c: {  	[tilespmem:v3+s4+$0x0] =	vst.idx.add.f32.msk vm4, v13  }
0x5d: {  	[tilespmem:v5+s4+$0x0] =	vst.idx.add.f32.msk vm2, v7  }
0x5e: {  	[tilespmem:v12+s4+$0x0] =	vst.idx.add.f32.msk vm5, v8  }
0x5f: {  	s31 =	sadd.s32 $0x80, s31;
	[tilespmem:v14+s4+$0x0] =	vst.idx.add.f32.msk vm6, v9  }
0x60: {  	v3 =	vld [tilespmem:$0x15F80];
	_ =	sdelay $0x4  }
0x61: {  	p0 =	seq.s32 s28, $0x3F;
	v3 =	vsub.s32 v3, v0  }
0x62: {  	s29 =	smul.u32 @!p0 $0x4E2, s28;
	vm0 =	vlt.u32 v3, $0x1388;
	v3 =	vshll.u32 v3, $0x4  }
0x63: {  	v4 =	vld [tilespmem:$0x1ADA0];
	v3 =	vor.u32 v2, v3  }
0x64: {  	s29 =	sadd.s32 @!p0 s29, s10  }
0x65: {  	s30 =	sshll.u32 @!p0 s29, $0x8  }
0x66: {  	s30 =	sor.u32 @!p0 s5, s30  }
0x67: {  	s31 =	simm.s32 @!p0 $0x10;
	s30 =	sshrl.u32 @!p0 s30, $0x3  }
0x68: {  	s2 =	simm.s32 @!p0 $0x100;
	s0 =	simm.s32 @!p0 $0x13880;
	s30 =	sadd.s32 @!p0 s1, s30;
	[tilespmem:v3+s4+$0x0] =	vst.idx.add.f32.msk vm0, v4  }
0x69: {  	[tilespmem:s0], [sflag:$0x1] =	stream.strided.gather @!p0 [hbm4b:s30+s31], $0x2710, s2, s31, $0x38;
	[tilespmem:$0x1D4C0] =	vst v63  }
0x6a: {  	s0 =	sshll.u32 @!p0 s29, $0x7  }
0x6b: {  	s0 =	sor.u32 @!p0 s5, s0  }
0x6c: {  	s0 =	sshrl.u32 @!p0 s0, $0x3  }
0x6d: {  	s2 =	simm.s32 @!p0 $0x80;
	s29 =	simm.s32 @!p0 $0x186A0;
	s0 =	sadd.s32 @!p0 s3, s0  }
0x6e: {  	[tilespmem:s29], [sflag:$0x2] =	stream.strided.gather @!p0 [hbm4b:s0+s31], $0x2710, s2, s31, $0x38;
	[tilespmem:$0x1D4C0] =	vst v63  }
0x6f: {  	_ =	swait.ge [sflag:s23], $0x2710  }
0x70: {  	[sflag:s23] =	ssyncset.done $0x0  }
0x71: {  	[sflag:s23] =	ssyncadd.s32 $0xFFFFD8F0  }
0x72: {  	_ =	swait.ge [sflag:s24], $0x2710  }
0x73: {  	[sflag:s24] =	ssyncset.done $0x0  }
0x74: {  	s2 =	simm.s32 $0x16000;
	[sflag:s24] =	ssyncadd.s32 $0xFFFFD8F0  }
0x75: {  	v3 =	vld [tilespmem:s2+$0x0]  }
0x76: {  	v53 =	vld [tilespmem:s2+$0xFFFFFFA0]  }
0x77: {  	v5 =	vld [tilespmem:s2+$0xFFFFFFB0]  }
0x78: {  	v6 =	vld [tilespmem:s2+$0xFFFFFFC0]  }
0x79: {  	v7 =	vld [tilespmem:s2+$0xFFFFFFD0]  }
0x7a: {  	v8 =	vld [tilespmem:s2+$0xFFFFFFE0]  }
0x7b: {  	v9 =	vld [tilespmem:s2+$0xFFFFFFF0]  }
0x7c: {  	v11 =	vld [tilespmem:s2+$0xFFFFFF90];
	_ =	sdelay $0x2  }
0x7d: {  	s29 =	simm.s32 $0x1AE20;
	v3 =	vsub.s32 v3, v0;
	v4 =	vsub.s32 v53, v0;
	v5 =	vsub.s32 v5, v0  }
0x7e: {  	v10 =	vld [tilespmem:s29+$0x0];
	v6 =	vsub.s32 v6, v0;
	v7 =	vsub.s32 v7, v0;
	v8 =	vsub.s32 v8, v0  }
0x7f: {  	v13 =	vld [tilespmem:s29+$0xFFFFFF90];
	v56 =	vsub.s32 v11, v0;
	v9 =	vsub.s32 v9, v0;
	vm14 =	vlt.u32 v3, $0x1388  }
0x80: {  	v14 =	vld [tilespmem:s29+$0xFFFFFFA0];
	v3 =	vshll.u32 v3, $0x4;
	v12 =	vshll.u32 v4, $0x4;
	vm1 =	vlt.u32 v4, $0x1388  }
0x81: {  	v16 =	vld [tilespmem:s29+$0xFFFFFFB0];
	v54 =	vshll.u32 v5, $0x4;
	v15 =	vshll.u32 v6, $0x4;
	v3 =	vor.u32 v2, v3  }
0x82: {  	v57 =	vld [tilespmem:s29+$0xFFFFFFC0];
	vm2 =	vlt.u32 v5, $0x1388;
	vm15 =	vlt.u32 v6, $0x1388;
	v12 =	vor.u32 v2, v12  }
0x83: {  	v59 =	vld [tilespmem:s29+$0xFFFFFFD0];
	vm3 =	vlt.u32 v56, $0x1388;
	v4 =	vshll.u32 v56, $0x4;
	v58 =	vor.u32 v2, v15  }
0x84: {  	v61 =	vld [tilespmem:s29+$0xFFFFFFE0];
	v55 =	vshll.u32 v7, $0x4;
	vm4 =	vlt.u32 v7, $0x1388;
	v4 =	vor.u32 v2, v4  }
0x85: {  	v62 =	vld [tilespmem:s29+$0xFFFFFFF0];
	v60 =	vshll.u32 v8, $0x4;
	vm5 =	vlt.u32 v8, $0x1388;
	v5 =	vor.u32 v2, v55  }
0x86: {  	v17 =	vshll.u32 v9, $0x4;
	vm6 =	vlt.u32 v9, $0x1388;
	v15 =	vor.u32 v2, v60;
	[tilespmem:v3+s4+$0x0] =	vst.idx.add.f32.msk vm14, v10  }
0x87: {  	v63 =	vor.u32 v2, v17;
	[tilespmem:v12+s4+$0x0] =	vst.idx.add.f32.msk vm1, v14  }
0x88: {  	v3 =	vor.u32 v2, v54;
	[tilespmem:v58+s4+$0x0] =	vst.idx.add.f32.msk vm15, v57  }
0x89: {  	[tilespmem:v4+s4+$0x0] =	vst.idx.add.f32.msk vm3, v13  }
0x8a: {  	[tilespmem:v5+s4+$0x0] =	vst.idx.add.f32.msk vm4, v59  }
0x8b: {  	[tilespmem:v15+s4+$0x0] =	vst.idx.add.f32.msk vm5, v61  }
0x8c: {  	[tilespmem:v63+s4+$0x0] =	vst.idx.add.f32.msk vm6, v62  }
0x8d: {  	s30 =	simm.s32 $0x0;
	s31 =	simm.s32 $0x16080;
	[tilespmem:v3+s4+$0x0] =	vst.idx.add.f32.msk vm2, v16  }
.LBB2_7:
0x8e: {  	v3 =	vld [tilespmem:s31+$0x0];
	s30 =	sadd.s32 $0x8, s30  }
0x8f: {  	v4 =	vld [tilespmem:s31+$0xFFFFFFA0];
	p1 =	slt.u32 s30, $0x268  }
0x90: {  	v5 =	vld [tilespmem:s31+$0xFFFFFFB0]  }
0x91: {  	v6 =	vld [tilespmem:s31+$0xFFFFFFC0]  }
0x92: {  	v7 =	vld [tilespmem:s31+$0xFFFFFFD0]  }
0x93: {  	v8 =	vld [tilespmem:s31+$0xFFFFFFE0];
	v3 =	vsub.s32 v3, v0  }
0x94: {  	s29 =	sadd.s32 $0x80, s29;
	v4 =	vsub.s32 v4, v0;
	v9 =	vld [tilespmem:s31+$0xFFFFFFF0];
	vm2 =	vlt.u32 v3, $0x1388;
	v3 =	vshll.u32 v3, $0x4  }
0x95: {  	v10 =	vshll.u32 v4, $0x4;
	v5 =	vsub.s32 v5, v0;
	v11 =	vld [tilespmem:s29+$0x0];
	v3 =	vor.u32 v2, v3  }
0x96: {  	vm0 =	vlt.u32 v4, $0x1388;
	v12 =	vld [tilespmem:s31+$0xFFFFFF90];
	v4 =	vshll.u32 v5, $0x4;
	v6 =	vsub.s32 v6, v0  }
0x97: {  	v10 =	vor.u32 v2, v10;
	v13 =	vld [tilespmem:s29+$0xFFFFFF90];
	v14 =	vshll.u32 v6, $0x4;
	v7 =	vsub.s32 v7, v0  }
0x98: {  	vm1 =	vlt.u32 v5, $0x1388;
	v15 =	vld [tilespmem:s29+$0xFFFFFFA0];
	v5 =	vshll.u32 v7, $0x4;
	v8 =	vsub.s32 v8, v0  }
0x99: {  	v4 =	vor.u32 v2, v4;
	v16 =	vld [tilespmem:s29+$0xFFFFFFB0];
	v17 =	vshll.u32 v8, $0x4;
	v9 =	vsub.s32 v9, v0  }
0x9a: {  	vm3 =	vlt.u32 v6, $0x1388;
	v6 =	vor.u32 v2, v14;
	v14 =	vshll.u32 v9, $0x4;
	[tilespmem:v3+s4+$0x0] =	vst.idx.add.f32.msk vm2, v11  }
0x9b: {  	v5 =	vor.u32 v2, v5;
	vm2 =	vlt.u32 v7, $0x1388;
	v3 =	vsub.s32 v12, v0;
	v11 =	vld [tilespmem:s29+$0xFFFFFFC0]  }
0x9c: {  	vm5 =	vlt.u32 v8, $0x1388;
	vm4 =	vlt.u32 v3, $0x1388;
	v3 =	vshll.u32 v3, $0x4;
	v7 =	vld [tilespmem:s29+$0xFFFFFFD0]  }
0x9d: {  	vm6 =	vlt.u32 v9, $0x1388;
	v12 =	vor.u32 v2, v17;
	v3 =	vor.u32 v2, v3;
	v8 =	vld [tilespmem:s29+$0xFFFFFFE0]  }
0x9e: {  	v14 =	vor.u32 v2, v14;
	v9 =	vld [tilespmem:s29+$0xFFFFFFF0]  }
0x9f: {  	[tilespmem:v10+s4+$0x0] =	vst.idx.add.f32.msk vm0, v15  }
0xa0: {  	[tilespmem:v4+s4+$0x0] =	vst.idx.add.f32.msk vm1, v16  }
.Ltmp4:
0xa1: {  	[tilespmem:v6+s4+$0x0] =	vst.idx.add.f32.msk vm3, v11;
	(pc) =	sbr.rel @p1 .LBB2_7-.Ltmp4, $4  }
0xa2: {  	[tilespmem:v3+s4+$0x0] =	vst.idx.add.f32.msk vm4, v13  }
0xa3: {  	[tilespmem:v5+s4+$0x0] =	vst.idx.add.f32.msk vm2, v7  }
0xa4: {  	[tilespmem:v12+s4+$0x0] =	vst.idx.add.f32.msk vm5, v8  }
0xa5: {  	s31 =	sadd.s32 $0x80, s31;
	[tilespmem:v14+s4+$0x0] =	vst.idx.add.f32.msk vm6, v9  }
0xa6: {  	v3 =	vld [tilespmem:$0x18690];
	_ =	sdelay $0x4  }
0xa7: {  	v3 =	vsub.s32 v3, v0  }
0xa8: {  	vm0 =	vlt.u32 v3, $0x1388;
	v3 =	vshll.u32 v3, $0x4  }
0xa9: {  	v4 =	vld [tilespmem:$0x1D4B0];
	v3 =	vor.u32 v2, v3  }
.Ltmp5:
0xaa: {  	_ = 	snop;
	(pc) =	sbr.rel @p0 .LBB2_10-.Ltmp5, $2  }
0xab: {  	_ =	sdelay $0x2  }
0xac: {  	[tilespmem:v3+s4+$0x0] =	vst.idx.add.f32.msk vm0, v4  }
0xad: {  	s0 =	smul.u32 $0x4E2, s28;
	_ =	sdelay $0x1  }
0xae: {  	s0 =	sadd.s32 s0, s11  }
0xaf: {  	s2 =	sshll.u32 s0, $0x8  }
0xb0: {  	s0 =	sshll.u32 s0, $0x7;
	s2 =	sor.u32 s5, s2  }
.Ltmp6:
0xb1: {  	s0 =	sor.u32 s5, s0;
	s2 =	sshrl.u32 s2, $0x3;
	(pc) =	sbr.rel .LBB2_4-.Ltmp6, $4  }
0xb2: {  	s0 =	sshrl.u32 s0, $0x3;
	s2 =	sadd.s32 s1, s2  }
0xb3: {  	[tilespmem:s19], [sflag:$0x3] =	stream.strided.gather [hbm4b:s2+s14], $0x2710, s15, s14, $0x38;
	[tilespmem:$0x1D4C0] =	vst v63  }
0xb4: {  	s28 =	sadd.s32 $0x1, s28;
	s0 =	sadd.s32 s3, s0  }
0xb5: {  	[tilespmem:s20], [sflag:$0x4] =	stream.strided.gather [hbm4b:s0+s14], $0x2710, s17, s14, $0x38;
	[tilespmem:$0x1D4C0] =	vst v63  }
.LBB2_11:
0xb6: {  	_ =	sfence.sel $0x180000  }
0xb7: {  	[bflag:$0x0] =	sbarrier.arrive $0xFFFF  }
0xb8: {  	_ =	strace $0x90000047  }
0xb9: {  	s0 =	stileid.u32;
	[bflag:$0x2] =	sbarrier.arrive $0xFFFF  }
0xba: {  	p0 =	sne.s32 s0, $0x0;
	s0 =	rddreg [dreg:$0x3]  }
0xbb: {  	s0 =	sadd.s32 @!p0 $0x100000, s0  }
0xbc: {  	[sflag:s0] =	ssyncadd.tile.s32 @!p0 $0x1;
	_ =	shalt  }
.Lfunc_end2:
_tile_overlayer_lowered:
.L_overlay_start_2:
0xbd: {  	(tag) =	ssettag $0x2  }
0xbe: {  	s0 =	rddreg [dreg:$0x0];
	s2 =	stileid.u32  }
0xbf: {  	s1 =	rddreg [dreg:$0x1];
	p0 =	sne.s32 s2, $0x0  }
0xc0: {  	s3 =	rddreg [dreg:$0x2];
	[bflag:$0x3] =	sbarrier.arrive $0xFFFF;
	s2 =	simm.s32 @!p0 $0x1C05  }
0xc1: {  	[timem:s3], [sflag:s2] =	dma.local @!p0 [hbm:s0], s1  }
0xc2: {  	s0 =	simm.s32 @!p0 $0x5  }
0xc3: {  	_ =	swait.ge @!p0 [sflag:s0], s1  }
0xc4: {  	s1 =	ssub.s32 @!p0 $0x0, s1;
	[sflag:s0] =	ssyncset.done @!p0 $0x0  }
0xc5: {  	[sflag:s0] =	ssyncadd.s32 @!p0 s1  }
0xc6: {  	[bflag:$0x3] =	sbarrier.arrive $0xFFFF  }
0xc7: {  	_ =	shalt  }

</sc_bundles>
